<compile_context>
chip_gen: v7x
topology: tpu7x:2x2x1
jax: 0.10.2.dev20260603
libtpu: 0.0.44.dev20260713+nightly
codegen_flags: <defaults>
</compile_context>

<pallas_src>
import functools

import jax
import jax.numpy as jnp
from jax import lax
from jax.experimental import pallas as pl
from jax.experimental.pallas import tpu as pltpu
from jax.experimental.pallas import tpu_sc as plsc

B, H, W, C = 8, 224, 224, 96
TOTAL = B * H * W * C
NC, NS, L = 2, 16, 16
NW = NC * NS
PER_W = TOTAL // NW
E = 10752
CHUNKS = PER_W // E
NDEEP = 8
GROUPS = CHUNKS // NDEEP


def _body(x1h, x2h, o1h, o2h, *args):
    bufs = args[:NDEEP]
    sems = args[NDEEP:2 * NDEEP]
    wid = lax.axis_index("s") * NC + lax.axis_index("c")
    base = wid * PER_W
    mask = (lax.iota(jnp.int32, L) % 2) == 0

    def start(ci, s):
        pltpu.make_async_copy(
            x1h.at[pl.ds(base + ci * E, E)], bufs[s], sems[s]).start()

    def wait(s):
        pltpu.make_async_copy(
            x1h.at[pl.ds(base, E)], bufs[s], sems[s]).wait()

    for s in range(NDEEP):
        start(s, s)

    def gbody(g, _):
        for s in range(NDEEP):
            ci = g * NDEEP + s
            wait(s)
            start(ci + NDEEP, s)
        return 0
    lax.fori_loop(0, GROUPS - 1, gbody, 0)

    for s in range(NDEEP):
        wait(s)

    sl = pl.ds(0, L)
    a = bufs[0][sl]
    o1_sl = o1h
    pltpu.sync_copy(bufs[0], o1h.at[pl.ds(base, E)])
    pltpu.sync_copy(bufs[0], o2h.at[pl.ds(base, E)])
    del a, sl, mask


@jax.jit
def kernel(x1, x2):
    mesh = plsc.VectorSubcoreMesh(core_axis_name="c", subcore_axis_name="s")
    k = functools.partial(
        pl.kernel,
        mesh=mesh,
        out_type=[
            jax.ShapeDtypeStruct((TOTAL,), jnp.float32),
            jax.ShapeDtypeStruct((TOTAL,), jnp.float32),
        ],
        scratch_types=(
            [pltpu.VMEM((E,), jnp.float32)] * NDEEP
            + [pltpu.SemaphoreType.DMA] * NDEEP
        ),
    )(_body)
    o1, o2 = k(x1.reshape(-1), x2.reshape(-1))
    return o1.reshape(B, C, H, W), o2.reshape(B, C, H, W)

# --- scband reference (transcript-rebuilt; emitter-appended) ---
"""Pipeline reference for scband-channel-exchange-16011638079734 (READ-ONLY COPY).

The authoritative reference and input builder live on the scoring server;
editing this copy changes nothing except your own understanding.
"""

import jax, jax.numpy as jnp
import numpy as np

P = 2

def setup_inputs(seed: int = 0) -> dict:
    key = jax.random.key(seed)
    k1, k2 = jax.random.split(key)
    x1 = jax.random.normal(k1, (8, 224, 224, 96), dtype=jnp.float32)
    x2 = jax.random.normal(k2, (8, 224, 224, 96), dtype=jnp.float32)
    return {"x1": x1, "x2": x2}


def reference(x1, x2):
    B, H, W, C = x1.shape
    # view(B, -1, C) then permute(0, 2, 1) -> [B, C, H*W]
    x1p = jnp.transpose(x1.reshape(B, -1, C), (0, 2, 1))
    x2p = jnp.transpose(x2.reshape(B, -1, C), (0, 2, 1))
    exchange_mask = (jnp.arange(C) % P) == 0            # [C]
    exchange_mask = jnp.broadcast_to(exchange_mask[None, :], (B, C))  # [B, C]
    m = exchange_mask[:, :, None]                        # [B, C, 1]
    # out_x1 takes x2 on exchanged channels, x1 elsewhere (and vice versa)
    out_x1 = jnp.where(m, x2p, x1p)
    out_x2 = jnp.where(m, x1p, x2p)
    # permute(0, 2, 1) -> [B, H*W, C], then view(B, C, H, W)
    out_x1 = jnp.transpose(out_x1, (0, 2, 1)).reshape(B, C, H, W)
    out_x2 = jnp.transpose(out_x2, (0, 2, 1)).reshape(B, C, H, W)
    return (out_x1, out_x2)

if __name__ == "__main__":
    import jax
    _d = setup_inputs()
    print(jax.jit(kernel)(*tuple(_d.values())))

</pallas_src>

<mosaic_0001>
#map = affine_map<(d0, d1) -> (0)>
module attributes {stable_mosaic.version = 14 : i64} {
  func.func @_body(%arg0: i32, %arg1: i32, %arg2: memref<38535168xf32, #tpu.memory_space<hbm>>, %arg3: memref<38535168xf32, #tpu.memory_space<hbm>>, %arg4: memref<38535168xf32, #tpu.memory_space<hbm>>, %arg5: memref<38535168xf32, #tpu.memory_space<hbm>>, %arg6: memref<10752xf32, #tpu.memory_space<vmem>>, %arg7: memref<10752xf32, #tpu.memory_space<vmem>>, %arg8: memref<10752xf32, #tpu.memory_space<vmem>>, %arg9: memref<10752xf32, #tpu.memory_space<vmem>>, %arg10: memref<10752xf32, #tpu.memory_space<vmem>>, %arg11: memref<10752xf32, #tpu.memory_space<vmem>>, %arg12: memref<10752xf32, #tpu.memory_space<vmem>>, %arg13: memref<10752xf32, #tpu.memory_space<vmem>>, %arg14: memref<!tpu.dma_semaphore, #tpu.memory_space<semaphore_mem>>, %arg15: memref<!tpu.dma_semaphore, #tpu.memory_space<semaphore_mem>>, %arg16: memref<!tpu.dma_semaphore, #tpu.memory_space<semaphore_mem>>, %arg17: memref<!tpu.dma_semaphore, #tpu.memory_space<semaphore_mem>>, %arg18: memref<!tpu.dma_semaphore, #tpu.memory_space<semaphore_mem>>, %arg19: memref<!tpu.dma_semaphore, #tpu.memory_space<semaphore_mem>>, %arg20: memref<!tpu.dma_semaphore, #tpu.memory_space<semaphore_mem>>, %arg21: memref<!tpu.dma_semaphore, #tpu.memory_space<semaphore_mem>>) attributes {dimension_semantics = [#tpu.dimension_semantics<core_parallel>, #tpu.dimension_semantics<subcore_parallel>], iteration_bounds = array<i64: 2, 16>, scalar_prefetch = 0 : i64, scratch_operands = 16 : i64, tpu.core_type = #tpu.core_type<sc_vector_subcore>, window_params = [{transform_indices = #map}, {transform_indices = #map}, {transform_indices = #map}, {transform_indices = #map}]} {
    %mul3A = arith.constant 2 : i32
    %mul3A_0 = arith.muli %arg1, %mul3A : i32
    %add3A = arith.addi %mul3A_0, %arg0 : i32
    %mul3A_1 = arith.constant 1204224 : i32
    %mul3A_2 = arith.muli %add3A, %mul3A_1 : i32
    %iota3A = tpu.iota {dimensions = array<i32: 0>} : vector<16xi32>
    %jit3A = arith.constant 2 : i32
    %eq3A = arith.constant 0 : i32
    %eq3A_3 = arith.cmpi eq, %jit3A, %eq3A : i32
    %jit3A_4 = arith.constant 1 : i32
    %select_n3A = arith.select %eq3A_3, %jit3A_4, %jit3A : i32
    %rem3A = vector.broadcast %select_n3A : i32 to vector<16xi32>
    %rem3A_5 = arith.remsi %iota3A, %rem3A : vector<16xi32>
    %ne3A = arith.constant 0 : i32
    %ne3A_6 = vector.broadcast %ne3A : i32 to vector<16xi32>
    %ne3A_7 = arith.cmpi ne, %rem3A_5, %ne3A_6 : vector<16xi32>
    %lt3A = arith.constant 0 : i32
    %lt3A_8 = vector.broadcast %lt3A : i32 to vector<16xi32>
    %lt3A_9 = arith.cmpi slt, %rem3A_5, %lt3A_8 : vector<16xi32>
    %lt3A_10 = arith.constant 0 : i32
    %lt3A_11 = arith.cmpi slt, %select_n3A, %lt3A_10 : i32
    %ne3A_12 = vector.broadcast %lt3A_11 : i1 to vector<16xi1>
    %ne3A_13 = vector.broadcast %ne3A_12 : vector<16xi1> to vector<16xi1>
    %ne3A_14 = arith.xori %lt3A_9, %ne3A_13 : vector<16xi1>
    %and3A = arith.andi %ne3A_14, %ne3A_7 : vector<16xi1>
    %add3A_15 = vector.broadcast %select_n3A : i32 to vector<16xi32>
    %add3A_16 = arith.addi %rem3A_5, %add3A_15 : vector<16xi32>
    %select_n3A_17 = arith.select %and3A, %add3A_16, %rem3A_5 : vector<16xi1>, vector<16xi32>
    %eq3A_18 = arith.constant 0 : i32
    %eq3A_19 = vector.broadcast %eq3A_18 : i32 to vector<16xi32>
    %eq3A_20 = arith.cmpi eq, %select_n3A_17, %eq3A_19 : vector<16xi32>
    %add3A_21 = arith.constant 0 : i32
    %add3A_22 = arith.addi %mul3A_2, %add3A_21 : i32
    %dma_start3A = tpu.memref_slice %arg2[%add3A_22] : memref<38535168xf32, #tpu.memory_space<hbm>> -> memref<10752xf32, #tpu.memory_space<hbm>>
    %dma_start3A_23 = tpu.memref_slice %arg2[%add3A_22] : memref<38535168xf32, #tpu.memory_space<hbm>> -> memref<10752xf32, #tpu.memory_space<hbm>>
    tpu.enqueue_dma source(%dma_start3A_23 : memref<10752xf32, #tpu.memory_space<hbm>>) target(%arg6 : memref<10752xf32, #tpu.memory_space<vmem>>) target_semaphore(%arg14 : memref<!tpu.dma_semaphore, #tpu.memory_space<semaphore_mem>>)
    %add3A_24 = arith.constant 10752 : i32
    %add3A_25 = arith.addi %mul3A_2, %add3A_24 : i32
    %dma_start3A_26 = tpu.memref_slice %arg2[%add3A_25] : memref<38535168xf32, #tpu.memory_space<hbm>> -> memref<10752xf32, #tpu.memory_space<hbm>>
    %dma_start3A_27 = tpu.memref_slice %arg2[%add3A_25] : memref<38535168xf32, #tpu.memory_space<hbm>> -> memref<10752xf32, #tpu.memory_space<hbm>>
    tpu.enqueue_dma source(%dma_start3A_27 : memref<10752xf32, #tpu.memory_space<hbm>>) target(%arg7 : memref<10752xf32, #tpu.memory_space<vmem>>) target_semaphore(%arg15 : memref<!tpu.dma_semaphore, #tpu.memory_space<semaphore_mem>>)
    %add3A_28 = arith.constant 21504 : i32
    %add3A_29 = arith.addi %mul3A_2, %add3A_28 : i32
    %dma_start3A_30 = tpu.memref_slice %arg2[%add3A_29] : memref<38535168xf32, #tpu.memory_space<hbm>> -> memref<10752xf32, #tpu.memory_space<hbm>>
    %dma_start3A_31 = tpu.memref_slice %arg2[%add3A_29] : memref<38535168xf32, #tpu.memory_space<hbm>> -> memref<10752xf32, #tpu.memory_space<hbm>>
    tpu.enqueue_dma source(%dma_start3A_31 : memref<10752xf32, #tpu.memory_space<hbm>>) target(%arg8 : memref<10752xf32, #tpu.memory_space<vmem>>) target_semaphore(%arg16 : memref<!tpu.dma_semaphore, #tpu.memory_space<semaphore_mem>>)
    %add3A_32 = arith.constant 32256 : i32
    %add3A_33 = arith.addi %mul3A_2, %add3A_32 : i32
    %dma_start3A_34 = tpu.memref_slice %arg2[%add3A_33] : memref<38535168xf32, #tpu.memory_space<hbm>> -> memref<10752xf32, #tpu.memory_space<hbm>>
    %dma_start3A_35 = tpu.memref_slice %arg2[%add3A_33] : memref<38535168xf32, #tpu.memory_space<hbm>> -> memref<10752xf32, #tpu.memory_space<hbm>>
    tpu.enqueue_dma source(%dma_start3A_35 : memref<10752xf32, #tpu.memory_space<hbm>>) target(%arg9 : memref<10752xf32, #tpu.memory_space<vmem>>) target_semaphore(%arg17 : memref<!tpu.dma_semaphore, #tpu.memory_space<semaphore_mem>>)
    %add3A_36 = arith.constant 43008 : i32
    %add3A_37 = arith.addi %mul3A_2, %add3A_36 : i32
    %dma_start3A_38 = tpu.memref_slice %arg2[%add3A_37] : memref<38535168xf32, #tpu.memory_space<hbm>> -> memref<10752xf32, #tpu.memory_space<hbm>>
    %dma_start3A_39 = tpu.memref_slice %arg2[%add3A_37] : memref<38535168xf32, #tpu.memory_space<hbm>> -> memref<10752xf32, #tpu.memory_space<hbm>>
    tpu.enqueue_dma source(%dma_start3A_39 : memref<10752xf32, #tpu.memory_space<hbm>>) target(%arg10 : memref<10752xf32, #tpu.memory_space<vmem>>) target_semaphore(%arg18 : memref<!tpu.dma_semaphore, #tpu.memory_space<semaphore_mem>>)
    %add3A_40 = arith.constant 53760 : i32
    %add3A_41 = arith.addi %mul3A_2, %add3A_40 : i32
    %dma_start3A_42 = tpu.memref_slice %arg2[%add3A_41] : memref<38535168xf32, #tpu.memory_space<hbm>> -> memref<10752xf32, #tpu.memory_space<hbm>>
    %dma_start3A_43 = tpu.memref_slice %arg2[%add3A_41] : memref<38535168xf32, #tpu.memory_space<hbm>> -> memref<10752xf32, #tpu.memory_space<hbm>>
    tpu.enqueue_dma source(%dma_start3A_43 : memref<10752xf32, #tpu.memory_space<hbm>>) target(%arg11 : memref<10752xf32, #tpu.memory_space<vmem>>) target_semaphore(%arg19 : memref<!tpu.dma_semaphore, #tpu.memory_space<semaphore_mem>>)
    %add3A_44 = arith.constant 64512 : i32
    %add3A_45 = arith.addi %mul3A_2, %add3A_44 : i32
    %dma_start3A_46 = tpu.memref_slice %arg2[%add3A_45] : memref<38535168xf32, #tpu.memory_space<hbm>> -> memref<10752xf32, #tpu.memory_space<hbm>>
    %dma_start3A_47 = tpu.memref_slice %arg2[%add3A_45] : memref<38535168xf32, #tpu.memory_space<hbm>> -> memref<10752xf32, #tpu.memory_space<hbm>>
    tpu.enqueue_dma source(%dma_start3A_47 : memref<10752xf32, #tpu.memory_space<hbm>>) target(%arg12 : memref<10752xf32, #tpu.memory_space<vmem>>) target_semaphore(%arg20 : memref<!tpu.dma_semaphore, #tpu.memory_space<semaphore_mem>>)
    %add3A_48 = arith.constant 75264 : i32
    %add3A_49 = arith.addi %mul3A_2, %add3A_48 : i32
    %dma_start3A_50 = tpu.memref_slice %arg2[%add3A_49] : memref<38535168xf32, #tpu.memory_space<hbm>> -> memref<10752xf32, #tpu.memory_space<hbm>>
    %dma_start3A_51 = tpu.memref_slice %arg2[%add3A_49] : memref<38535168xf32, #tpu.memory_space<hbm>> -> memref<10752xf32, #tpu.memory_space<hbm>>
    tpu.enqueue_dma source(%dma_start3A_51 : memref<10752xf32, #tpu.memory_space<hbm>>) target(%arg13 : memref<10752xf32, #tpu.memory_space<vmem>>) target_semaphore(%arg21 : memref<!tpu.dma_semaphore, #tpu.memory_space<semaphore_mem>>)
    %scan3A = arith.constant 0 : i32
    %scan3A_52 = arith.constant 0 : i32
    %scan3A_53 = arith.constant 13 : i32
    %scan3A_54 = arith.addi %scan3A_52, %scan3A_53 : i32
    %scan3A_55 = arith.constant 1 : i32
    %scan3A_56 = scf.for %scan3A_75 = %scan3A_52 to %scan3A_54 step %scan3A_55 iter_args(%scan3A_76 = %scan3A) -> (i32)  : i32 {
      %mul3A_77 = arith.constant 8 : i32
      %mul3A_78 = arith.muli %scan3A_75, %mul3A_77 : i32
      %add3A_79 = arith.constant 0 : i32
      %add3A_80 = arith.addi %mul3A_78, %add3A_79 : i32
      %dma_wait3A_81 = tpu.memref_slice %arg2[%mul3A_2] : memref<38535168xf32, #tpu.memory_space<hbm>> -> memref<10752xf32, #tpu.memory_space<hbm>>
      %dma_wait3A_82 = tpu.memref_slice %arg2[%mul3A_2] : memref<38535168xf32, #tpu.memory_space<hbm>> -> memref<10752xf32, #tpu.memory_space<hbm>>
      tpu.wait_dma2 semaphore(%arg14 : memref<!tpu.dma_semaphore, #tpu.memory_space<semaphore_mem>>) src(%dma_wait3A_82 : memref<10752xf32, #tpu.memory_space<hbm>>) dst(%arg6 : memref<10752xf32, #tpu.memory_space<vmem>>)
      %add3A_83 = arith.constant 8 : i32
      %add3A_84 = arith.addi %add3A_80, %add3A_83 : i32
      %mul3A_85 = arith.constant 10752 : i32
      %mul3A_86 = arith.muli %add3A_84, %mul3A_85 : i32
      %add3A_87 = arith.addi %mul3A_2, %mul3A_86 : i32
      %dma_start3A_88 = tpu.memref_slice %arg2[%add3A_87] : memref<38535168xf32, #tpu.memory_space<hbm>> -> memref<10752xf32, #tpu.memory_space<hbm>>
      %dma_start3A_89 = tpu.memref_slice %arg2[%add3A_87] : memref<38535168xf32, #tpu.memory_space<hbm>> -> memref<10752xf32, #tpu.memory_space<hbm>>
      tpu.enqueue_dma source(%dma_start3A_89 : memref<10752xf32, #tpu.memory_space<hbm>>) target(%arg6 : memref<10752xf32, #tpu.memory_space<vmem>>) target_semaphore(%arg14 : memref<!tpu.dma_semaphore, #tpu.memory_space<semaphore_mem>>)
      %mul3A_90 = arith.constant 8 : i32
      %mul3A_91 = arith.muli %scan3A_75, %mul3A_90 : i32
      %add3A_92 = arith.constant 1 : i32
      %add3A_93 = arith.addi %mul3A_91, %add3A_92 : i32
      %dma_wait3A_94 = tpu.memref_slice %arg2[%mul3A_2] : memref<38535168xf32, #tpu.memory_space<hbm>> -> memref<10752xf32, #tpu.memory_space<hbm>>
      %dma_wait3A_95 = tpu.memref_slice %arg2[%mul3A_2] : memref<38535168xf32, #tpu.memory_space<hbm>> -> memref<10752xf32, #tpu.memory_space<hbm>>
      tpu.wait_dma2 semaphore(%arg15 : memref<!tpu.dma_semaphore, #tpu.memory_space<semaphore_mem>>) src(%dma_wait3A_95 : memref<10752xf32, #tpu.memory_space<hbm>>) dst(%arg7 : memref<10752xf32, #tpu.memory_space<vmem>>)
      %add3A_96 = arith.constant 8 : i32
      %add3A_97 = arith.addi %add3A_93, %add3A_96 : i32
      %mul3A_98 = arith.constant 10752 : i32
      %mul3A_99 = arith.muli %add3A_97, %mul3A_98 : i32
      %add3A_100 = arith.addi %mul3A_2, %mul3A_99 : i32
      %dma_start3A_101 = tpu.memref_slice %arg2[%add3A_100] : memref<38535168xf32, #tpu.memory_space<hbm>> -> memref<10752xf32, #tpu.memory_space<hbm>>
      %dma_start3A_102 = tpu.memref_slice %arg2[%add3A_100] : memref<38535168xf32, #tpu.memory_space<hbm>> -> memref<10752xf32, #tpu.memory_space<hbm>>
      tpu.enqueue_dma source(%dma_start3A_102 : memref<10752xf32, #tpu.memory_space<hbm>>) target(%arg7 : memref<10752xf32, #tpu.memory_space<vmem>>) target_semaphore(%arg15 : memref<!tpu.dma_semaphore, #tpu.memory_space<semaphore_mem>>)
      %mul3A_103 = arith.constant 8 : i32
      %mul3A_104 = arith.muli %scan3A_75, %mul3A_103 : i32
      %add3A_105 = arith.constant 2 : i32
      %add3A_106 = arith.addi %mul3A_104, %add3A_105 : i32
      %dma_wait3A_107 = tpu.memref_slice %arg2[%mul3A_2] : memref<38535168xf32, #tpu.memory_space<hbm>> -> memref<10752xf32, #tpu.memory_space<hbm>>
      %dma_wait3A_108 = tpu.memref_slice %arg2[%mul3A_2] : memref<38535168xf32, #tpu.memory_space<hbm>> -> memref<10752xf32, #tpu.memory_space<hbm>>
      tpu.wait_dma2 semaphore(%arg16 : memref<!tpu.dma_semaphore, #tpu.memory_space<semaphore_mem>>) src(%dma_wait3A_108 : memref<10752xf32, #tpu.memory_space<hbm>>) dst(%arg8 : memref<10752xf32, #tpu.memory_space<vmem>>)
      %add3A_109 = arith.constant 8 : i32
      %add3A_110 = arith.addi %add3A_106, %add3A_109 : i32
      %mul3A_111 = arith.constant 10752 : i32
      %mul3A_112 = arith.muli %add3A_110, %mul3A_111 : i32
      %add3A_113 = arith.addi %mul3A_2, %mul3A_112 : i32
      %dma_start3A_114 = tpu.memref_slice %arg2[%add3A_113] : memref<38535168xf32, #tpu.memory_space<hbm>> -> memref<10752xf32, #tpu.memory_space<hbm>>
      %dma_start3A_115 = tpu.memref_slice %arg2[%add3A_113] : memref<38535168xf32, #tpu.memory_space<hbm>> -> memref<10752xf32, #tpu.memory_space<hbm>>
      tpu.enqueue_dma source(%dma_start3A_115 : memref<10752xf32, #tpu.memory_space<hbm>>) target(%arg8 : memref<10752xf32, #tpu.memory_space<vmem>>) target_semaphore(%arg16 : memref<!tpu.dma_semaphore, #tpu.memory_space<semaphore_mem>>)
      %mul3A_116 = arith.constant 8 : i32
      %mul3A_117 = arith.muli %scan3A_75, %mul3A_116 : i32
      %add3A_118 = arith.constant 3 : i32
      %add3A_119 = arith.addi %mul3A_117, %add3A_118 : i32
      %dma_wait3A_120 = tpu.memref_slice %arg2[%mul3A_2] : memref<38535168xf32, #tpu.memory_space<hbm>> -> memref<10752xf32, #tpu.memory_space<hbm>>
      %dma_wait3A_121 = tpu.memref_slice %arg2[%mul3A_2] : memref<38535168xf32, #tpu.memory_space<hbm>> -> memref<10752xf32, #tpu.memory_space<hbm>>
      tpu.wait_dma2 semaphore(%arg17 : memref<!tpu.dma_semaphore, #tpu.memory_space<semaphore_mem>>) src(%dma_wait3A_121 : memref<10752xf32, #tpu.memory_space<hbm>>) dst(%arg9 : memref<10752xf32, #tpu.memory_space<vmem>>)
      %add3A_122 = arith.constant 8 : i32
      %add3A_123 = arith.addi %add3A_119, %add3A_122 : i32
      %mul3A_124 = arith.constant 10752 : i32
      %mul3A_125 = arith.muli %add3A_123, %mul3A_124 : i32
      %add3A_126 = arith.addi %mul3A_2, %mul3A_125 : i32
      %dma_start3A_127 = tpu.memref_slice %arg2[%add3A_126] : memref<38535168xf32, #tpu.memory_space<hbm>> -> memref<10752xf32, #tpu.memory_space<hbm>>
      %dma_start3A_128 = tpu.memref_slice %arg2[%add3A_126] : memref<38535168xf32, #tpu.memory_space<hbm>> -> memref<10752xf32, #tpu.memory_space<hbm>>
      tpu.enqueue_dma source(%dma_start3A_128 : memref<10752xf32, #tpu.memory_space<hbm>>) target(%arg9 : memref<10752xf32, #tpu.memory_space<vmem>>) target_semaphore(%arg17 : memref<!tpu.dma_semaphore, #tpu.memory_space<semaphore_mem>>)
      %mul3A_129 = arith.constant 8 : i32
      %mul3A_130 = arith.muli %scan3A_75, %mul3A_129 : i32
      %add3A_131 = arith.constant 4 : i32
      %add3A_132 = arith.addi %mul3A_130, %add3A_131 : i32
      %dma_wait3A_133 = tpu.memref_slice %arg2[%mul3A_2] : memref<38535168xf32, #tpu.memory_space<hbm>> -> memref<10752xf32, #tpu.memory_space<hbm>>
      %dma_wait3A_134 = tpu.memref_slice %arg2[%mul3A_2] : memref<38535168xf32, #tpu.memory_space<hbm>> -> memref<10752xf32, #tpu.memory_space<hbm>>
      tpu.wait_dma2 semaphore(%arg18 : memref<!tpu.dma_semaphore, #tpu.memory_space<semaphore_mem>>) src(%dma_wait3A_134 : memref<10752xf32, #tpu.memory_space<hbm>>) dst(%arg10 : memref<10752xf32, #tpu.memory_space<vmem>>)
      %add3A_135 = arith.constant 8 : i32
      %add3A_136 = arith.addi %add3A_132, %add3A_135 : i32
      %mul3A_137 = arith.constant 10752 : i32
      %mul3A_138 = arith.muli %add3A_136, %mul3A_137 : i32
      %add3A_139 = arith.addi %mul3A_2, %mul3A_138 : i32
      %dma_start3A_140 = tpu.memref_slice %arg2[%add3A_139] : memref<38535168xf32, #tpu.memory_space<hbm>> -> memref<10752xf32, #tpu.memory_space<hbm>>
      %dma_start3A_141 = tpu.memref_slice %arg2[%add3A_139] : memref<38535168xf32, #tpu.memory_space<hbm>> -> memref<10752xf32, #tpu.memory_space<hbm>>
      tpu.enqueue_dma source(%dma_start3A_141 : memref<10752xf32, #tpu.memory_space<hbm>>) target(%arg10 : memref<10752xf32, #tpu.memory_space<vmem>>) target_semaphore(%arg18 : memref<!tpu.dma_semaphore, #tpu.memory_space<semaphore_mem>>)
      %mul3A_142 = arith.constant 8 : i32
      %mul3A_143 = arith.muli %scan3A_75, %mul3A_142 : i32
      %add3A_144 = arith.constant 5 : i32
      %add3A_145 = arith.addi %mul3A_143, %add3A_144 : i32
      %dma_wait3A_146 = tpu.memref_slice %arg2[%mul3A_2] : memref<38535168xf32, #tpu.memory_space<hbm>> -> memref<10752xf32, #tpu.memory_space<hbm>>
      %dma_wait3A_147 = tpu.memref_slice %arg2[%mul3A_2] : memref<38535168xf32, #tpu.memory_space<hbm>> -> memref<10752xf32, #tpu.memory_space<hbm>>
      tpu.wait_dma2 semaphore(%arg19 : memref<!tpu.dma_semaphore, #tpu.memory_space<semaphore_mem>>) src(%dma_wait3A_147 : memref<10752xf32, #tpu.memory_space<hbm>>) dst(%arg11 : memref<10752xf32, #tpu.memory_space<vmem>>)
      %add3A_148 = arith.constant 8 : i32
      %add3A_149 = arith.addi %add3A_145, %add3A_148 : i32
      %mul3A_150 = arith.constant 10752 : i32
      %mul3A_151 = arith.muli %add3A_149, %mul3A_150 : i32
      %add3A_152 = arith.addi %mul3A_2, %mul3A_151 : i32
      %dma_start3A_153 = tpu.memref_slice %arg2[%add3A_152] : memref<38535168xf32, #tpu.memory_space<hbm>> -> memref<10752xf32, #tpu.memory_space<hbm>>
      %dma_start3A_154 = tpu.memref_slice %arg2[%add3A_152] : memref<38535168xf32, #tpu.memory_space<hbm>> -> memref<10752xf32, #tpu.memory_space<hbm>>
      tpu.enqueue_dma source(%dma_start3A_154 : memref<10752xf32, #tpu.memory_space<hbm>>) target(%arg11 : memref<10752xf32, #tpu.memory_space<vmem>>) target_semaphore(%arg19 : memref<!tpu.dma_semaphore, #tpu.memory_space<semaphore_mem>>)
      %mul3A_155 = arith.constant 8 : i32
      %mul3A_156 = arith.muli %scan3A_75, %mul3A_155 : i32
      %add3A_157 = arith.constant 6 : i32
      %add3A_158 = arith.addi %mul3A_156, %add3A_157 : i32
      %dma_wait3A_159 = tpu.memref_slice %arg2[%mul3A_2] : memref<38535168xf32, #tpu.memory_space<hbm>> -> memref<10752xf32, #tpu.memory_space<hbm>>
      %dma_wait3A_160 = tpu.memref_slice %arg2[%mul3A_2] : memref<38535168xf32, #tpu.memory_space<hbm>> -> memref<10752xf32, #tpu.memory_space<hbm>>
      tpu.wait_dma2 semaphore(%arg20 : memref<!tpu.dma_semaphore, #tpu.memory_space<semaphore_mem>>) src(%dma_wait3A_160 : memref<10752xf32, #tpu.memory_space<hbm>>) dst(%arg12 : memref<10752xf32, #tpu.memory_space<vmem>>)
      %add3A_161 = arith.constant 8 : i32
      %add3A_162 = arith.addi %add3A_158, %add3A_161 : i32
      %mul3A_163 = arith.constant 10752 : i32
      %mul3A_164 = arith.muli %add3A_162, %mul3A_163 : i32
      %add3A_165 = arith.addi %mul3A_2, %mul3A_164 : i32
      %dma_start3A_166 = tpu.memref_slice %arg2[%add3A_165] : memref<38535168xf32, #tpu.memory_space<hbm>> -> memref<10752xf32, #tpu.memory_space<hbm>>
      %dma_start3A_167 = tpu.memref_slice %arg2[%add3A_165] : memref<38535168xf32, #tpu.memory_space<hbm>> -> memref<10752xf32, #tpu.memory_space<hbm>>
      tpu.enqueue_dma source(%dma_start3A_167 : memref<10752xf32, #tpu.memory_space<hbm>>) target(%arg12 : memref<10752xf32, #tpu.memory_space<vmem>>) target_semaphore(%arg20 : memref<!tpu.dma_semaphore, #tpu.memory_space<semaphore_mem>>)
      %mul3A_168 = arith.constant 8 : i32
      %mul3A_169 = arith.muli %scan3A_75, %mul3A_168 : i32
      %add3A_170 = arith.constant 7 : i32
      %add3A_171 = arith.addi %mul3A_169, %add3A_170 : i32
      %dma_wait3A_172 = tpu.memref_slice %arg2[%mul3A_2] : memref<38535168xf32, #tpu.memory_space<hbm>> -> memref<10752xf32, #tpu.memory_space<hbm>>
      %dma_wait3A_173 = tpu.memref_slice %arg2[%mul3A_2] : memref<38535168xf32, #tpu.memory_space<hbm>> -> memref<10752xf32, #tpu.memory_space<hbm>>
      tpu.wait_dma2 semaphore(%arg21 : memref<!tpu.dma_semaphore, #tpu.memory_space<semaphore_mem>>) src(%dma_wait3A_173 : memref<10752xf32, #tpu.memory_space<hbm>>) dst(%arg13 : memref<10752xf32, #tpu.memory_space<vmem>>)
      %add3A_174 = arith.constant 8 : i32
      %add3A_175 = arith.addi %add3A_171, %add3A_174 : i32
      %mul3A_176 = arith.constant 10752 : i32
      %mul3A_177 = arith.muli %add3A_175, %mul3A_176 : i32
      %add3A_178 = arith.addi %mul3A_2, %mul3A_177 : i32
      %dma_start3A_179 = tpu.memref_slice %arg2[%add3A_178] : memref<38535168xf32, #tpu.memory_space<hbm>> -> memref<10752xf32, #tpu.memory_space<hbm>>
      %dma_start3A_180 = tpu.memref_slice %arg2[%add3A_178] : memref<38535168xf32, #tpu.memory_space<hbm>> -> memref<10752xf32, #tpu.memory_space<hbm>>
      tpu.enqueue_dma source(%dma_start3A_180 : memref<10752xf32, #tpu.memory_space<hbm>>) target(%arg13 : memref<10752xf32, #tpu.memory_space<vmem>>) target_semaphore(%arg21 : memref<!tpu.dma_semaphore, #tpu.memory_space<semaphore_mem>>)
      %scan3A_181 = arith.constant 0 : i32
      scf.yield %scan3A_181 : i32
    }
    %scan3A_57 = arith.constant 13 : i32
    %dma_wait3A = tpu.memref_slice %arg2[%mul3A_2] : memref<38535168xf32, #tpu.memory_space<hbm>> -> memref<10752xf32, #tpu.memory_space<hbm>>
    %dma_wait3A_58 = tpu.memref_slice %arg2[%mul3A_2] : memref<38535168xf32, #tpu.memory_space<hbm>> -> memref<10752xf32, #tpu.memory_space<hbm>>
    tpu.wait_dma2 semaphore(%arg14 : memref<!tpu.dma_semaphore, #tpu.memory_space<semaphore_mem>>) src(%dma_wait3A_58 : memref<10752xf32, #tpu.memory_space<hbm>>) dst(%arg6 : memref<10752xf32, #tpu.memory_space<vmem>>)
    %dma_wait3A_59 = tpu.memref_slice %arg2[%mul3A_2] : memref<38535168xf32, #tpu.memory_space<hbm>> -> memref<10752xf32, #tpu.memory_space<hbm>>
    %dma_wait3A_60 = tpu.memref_slice %arg2[%mul3A_2] : memref<38535168xf32, #tpu.memory_space<hbm>> -> memref<10752xf32, #tpu.memory_space<hbm>>
    tpu.wait_dma2 semaphore(%arg15 : memref<!tpu.dma_semaphore, #tpu.memory_space<semaphore_mem>>) src(%dma_wait3A_60 : memref<10752xf32, #tpu.memory_space<hbm>>) dst(%arg7 : memref<10752xf32, #tpu.memory_space<vmem>>)
    %dma_wait3A_61 = tpu.memref_slice %arg2[%mul3A_2] : memref<38535168xf32, #tpu.memory_space<hbm>> -> memref<10752xf32, #tpu.memory_space<hbm>>
    %dma_wait3A_62 = tpu.memref_slice %arg2[%mul3A_2] : memref<38535168xf32, #tpu.memory_space<hbm>> -> memref<10752xf32, #tpu.memory_space<hbm>>
    tpu.wait_dma2 semaphore(%arg16 : memref<!tpu.dma_semaphore, #tpu.memory_space<semaphore_mem>>) src(%dma_wait3A_62 : memref<10752xf32, #tpu.memory_space<hbm>>) dst(%arg8 : memref<10752xf32, #tpu.memory_space<vmem>>)
    %dma_wait3A_63 = tpu.memref_slice %arg2[%mul3A_2] : memref<38535168xf32, #tpu.memory_space<hbm>> -> memref<10752xf32, #tpu.memory_space<hbm>>
    %dma_wait3A_64 = tpu.memref_slice %arg2[%mul3A_2] : memref<38535168xf32, #tpu.memory_space<hbm>> -> memref<10752xf32, #tpu.memory_space<hbm>>
    tpu.wait_dma2 semaphore(%arg17 : memref<!tpu.dma_semaphore, #tpu.memory_space<semaphore_mem>>) src(%dma_wait3A_64 : memref<10752xf32, #tpu.memory_space<hbm>>) dst(%arg9 : memref<10752xf32, #tpu.memory_space<vmem>>)
    %dma_wait3A_65 = tpu.memref_slice %arg2[%mul3A_2] : memref<38535168xf32, #tpu.memory_space<hbm>> -> memref<10752xf32, #tpu.memory_space<hbm>>
    %dma_wait3A_66 = tpu.memref_slice %arg2[%mul3A_2] : memref<38535168xf32, #tpu.memory_space<hbm>> -> memref<10752xf32, #tpu.memory_space<hbm>>
    tpu.wait_dma2 semaphore(%arg18 : memref<!tpu.dma_semaphore, #tpu.memory_space<semaphore_mem>>) src(%dma_wait3A_66 : memref<10752xf32, #tpu.memory_space<hbm>>) dst(%arg10 : memref<10752xf32, #tpu.memory_space<vmem>>)
    %dma_wait3A_67 = tpu.memref_slice %arg2[%mul3A_2] : memref<38535168xf32, #tpu.memory_space<hbm>> -> memref<10752xf32, #tpu.memory_space<hbm>>
    %dma_wait3A_68 = tpu.memref_slice %arg2[%mul3A_2] : memref<38535168xf32, #tpu.memory_space<hbm>> -> memref<10752xf32, #tpu.memory_space<hbm>>
    tpu.wait_dma2 semaphore(%arg19 : memref<!tpu.dma_semaphore, #tpu.memory_space<semaphore_mem>>) src(%dma_wait3A_68 : memref<10752xf32, #tpu.memory_space<hbm>>) dst(%arg11 : memref<10752xf32, #tpu.memory_space<vmem>>)
    %dma_wait3A_69 = tpu.memref_slice %arg2[%mul3A_2] : memref<38535168xf32, #tpu.memory_space<hbm>> -> memref<10752xf32, #tpu.memory_space<hbm>>
    %dma_wait3A_70 = tpu.memref_slice %arg2[%mul3A_2] : memref<38535168xf32, #tpu.memory_space<hbm>> -> memref<10752xf32, #tpu.memory_space<hbm>>
    tpu.wait_dma2 semaphore(%arg20 : memref<!tpu.dma_semaphore, #tpu.memory_space<semaphore_mem>>) src(%dma_wait3A_70 : memref<10752xf32, #tpu.memory_space<hbm>>) dst(%arg12 : memref<10752xf32, #tpu.memory_space<vmem>>)
    %dma_wait3A_71 = tpu.memref_slice %arg2[%mul3A_2] : memref<38535168xf32, #tpu.memory_space<hbm>> -> memref<10752xf32, #tpu.memory_space<hbm>>
    %dma_wait3A_72 = tpu.memref_slice %arg2[%mul3A_2] : memref<38535168xf32, #tpu.memory_space<hbm>> -> memref<10752xf32, #tpu.memory_space<hbm>>
    tpu.wait_dma2 semaphore(%arg21 : memref<!tpu.dma_semaphore, #tpu.memory_space<semaphore_mem>>) src(%dma_wait3A_72 : memref<10752xf32, #tpu.memory_space<hbm>>) dst(%arg13 : memref<10752xf32, #tpu.memory_space<vmem>>)
    %get3A = arith.constant 0 : index
    %get3A_73 = tpu.vector_load %arg6[%get3A] {strides = array<i32>} : memref<10752xf32, #tpu.memory_space<vmem>>, vector<16xf32>,
    %get3A_74 = vector.shape_cast %get3A_73 : vector<16xf32> to vector<16xf32>
    "tpu.region"() ({
      %run_scoped3A = tpu.sem_alloc : memref<!tpu.dma_semaphore, #tpu.memory_space<semaphore_mem>>
      %dma_start3A_75 = tpu.memref_slice %arg4[%mul3A_2] : memref<38535168xf32, #tpu.memory_space<hbm>> -> memref<10752xf32, #tpu.memory_space<hbm>>
      %dma_start3A_76 = tpu.memref_slice %arg4[%mul3A_2] : memref<38535168xf32, #tpu.memory_space<hbm>> -> memref<10752xf32, #tpu.memory_space<hbm>>
      tpu.enqueue_dma source(%arg6 : memref<10752xf32, #tpu.memory_space<vmem>>) target(%dma_start3A_76 : memref<10752xf32, #tpu.memory_space<hbm>>) target_semaphore(%run_scoped3A : memref<!tpu.dma_semaphore, #tpu.memory_space<semaphore_mem>>)
      %dma_wait3A_77 = tpu.memref_slice %arg4[%mul3A_2] : memref<38535168xf32, #tpu.memory_space<hbm>> -> memref<10752xf32, #tpu.memory_space<hbm>>
      %dma_wait3A_78 = tpu.memref_slice %arg4[%mul3A_2] : memref<38535168xf32, #tpu.memory_space<hbm>> -> memref<10752xf32, #tpu.memory_space<hbm>>
      tpu.wait_dma2 semaphore(%run_scoped3A : memref<!tpu.dma_semaphore, #tpu.memory_space<semaphore_mem>>) src(%arg6 : memref<10752xf32, #tpu.memory_space<vmem>>) dst(%dma_wait3A_78 : memref<10752xf32, #tpu.memory_space<hbm>>)
      tpu.yield
    }) : () -> ()
    "tpu.region"() ({
      %run_scoped3A = tpu.sem_alloc : memref<!tpu.dma_semaphore, #tpu.memory_space<semaphore_mem>>
      %dma_start3A_75 = tpu.memref_slice %arg5[%mul3A_2] : memref<38535168xf32, #tpu.memory_space<hbm>> -> memref<10752xf32, #tpu.memory_space<hbm>>
      %dma_start3A_76 = tpu.memref_slice %arg5[%mul3A_2] : memref<38535168xf32, #tpu.memory_space<hbm>> -> memref<10752xf32, #tpu.memory_space<hbm>>
      tpu.enqueue_dma source(%arg6 : memref<10752xf32, #tpu.memory_space<vmem>>) target(%dma_start3A_76 : memref<10752xf32, #tpu.memory_space<hbm>>) target_semaphore(%run_scoped3A : memref<!tpu.dma_semaphore, #tpu.memory_space<semaphore_mem>>)
      %dma_wait3A_77 = tpu.memref_slice %arg5[%mul3A_2] : memref<38535168xf32, #tpu.memory_space<hbm>> -> memref<10752xf32, #tpu.memory_space<hbm>>
      %dma_wait3A_78 = tpu.memref_slice %arg5[%mul3A_2] : memref<38535168xf32, #tpu.memory_space<hbm>> -> memref<10752xf32, #tpu.memory_space<hbm>>
      tpu.wait_dma2 semaphore(%run_scoped3A : memref<!tpu.dma_semaphore, #tpu.memory_space<semaphore_mem>>) src(%arg6 : memref<10752xf32, #tpu.memory_space<vmem>>) dst(%dma_wait3A_78 : memref<10752xf32, #tpu.memory_space<hbm>>)
      tpu.yield
    }) : () -> ()
    return
  }
}

</mosaic_0001>

<sc_bundles>
// kernel: kernel.3.cloned.1.call-start
scs
__scs_entry_jumppad:
0x0: {  	(pc) =	sbr.rel $0x88, $3  }
0x1: {  	(tag) =	ssettag $0x0;
	lr =	simm.s32 $0x1  }
0x2: {  	[smem:$0x3F9F] =	sst lr;
	_ =	strace $0xD0000000  }
0x3: {  	_ = 	snop  }
0x4: {  	_ = 	snop  }
0x5: {  	_ = 	snop  }
0x6: {  	_ = 	snop  }
0x7: {  	_ = 	snop  }
__scs_overlays_trampoline_lowered:
0x8: {  	[smem:$0x3FAE] =	sst s0  }
0x9: {  	[smem:$0x3FAF] =	sst s1  }
0xa: {  	[smem:$0x3FB0] =	sst s2  }
0xb: {  	[smem:$0x3FB1] =	sst s3  }
0xc: {  	[smem:$0x3FB2] =	sst s4  }
0xd: {  	[smem:$0x3FB3] =	sst s5  }
0xe: {  	[smem:$0x3FB4] =	sst s6  }
0xf: {  	[smem:$0x3FB5] =	sst s7  }
0x10: {  	[smem:$0x3FB6] =	sst s8  }
0x11: {  	[smem:$0x3FB7] =	sst s9;
	s0 =	simm.s32 @!p0 $0x0  }
0x12: {  	s1 =	sld [smem:$0x3F9D];
	s0 =	simm.s32 @p0 $0x1  }
0x13: {  	[smem:$0x3FB8] =	sst s0;
	s0 =	simm.s32 @!p1 $0x0  }
0x14: {  	s2 =	sld [smem:$0x3F9C];
	s0 =	simm.s32 @p1 $0x1  }
0x15: {  	[smem:$0x3FB9] =	sst s0;
	s0 =	simm.s32 @!p2 $0x0  }
0x16: {  	s3 =	sld [smem:$0x3FDB];
	s0 =	simm.s32 @p2 $0x1  }
0x17: {  	s4 =	simm.s32 $0x1BF5;
	[smem:$0x3FBB] =	sst s0  }
0x18: {  	s0 =	sld [smem:$0x3F9E];
	_ =	swait.ge [sflag:s4], $0x0  }
0x19: {  	s7 =	sld [smem:$0x3F9F]  }
0x1a: {  	s8 =	sadd.s32 $0xFFFFE003, lr  }
0x1b: {  	s9 =	sadd.s32 $0xFFFFFEF7, lr;
	s5 =	simm.s32 $0xFFFFFFFF;
	p2 =	slt.u32 s8, $0xFFFFF086  }
0x1c: {  	p1 =	slt.u32 s9, $0xF7A;
	s5 =	simm.s32 @!p2 $0x0  }
0x1d: {  	s5 =	simm.s32 @p1 $0x1;
	p0 =	seq.s32 s7, s2  }
0x1e: {  	s7 =	smul.u32 @!p0 $0xF7A, s2;
	p2 =	seq.s32 @!p0 s5, $0x0  }
0x1f: {  	s9 =	smul.u32 $0xF7A, s1;
	s8 =	simm.s32 @!p0 $0x1BF5;
	p2 =	por !p2, p0  }
0x20: {  	[sflag:s8] =	ssyncset.s32 @!p0 $0xFFFFF086;
	s6 =	sadd.s32 @!p0 s3, s7;
	s7 =	simm.s32 @!p0 $0x108  }
0x21: {  	s3 =	sadd.s32 s3, s9;
	s6 =	sadd.s32 @!p0 $0x88, s6;
	s7 =	simm.s32 @p2 $0x1082  }
0x22: {  	[simem:s7], [sflag:s8] =	dma.local @!p0 [hbm:s6], $0xF7A  }
0x23: {  	s9 =	sor.u32 $0xD0000000, s2;
	s6 =	simm.s32 $0x108;
	_ =	swait.ge @!p0 [sflag:s8], $0x0  }
0x24: {  	s3 =	sadd.s32 $0x88, s3;
	s6 =	simm.s32 @!p1 $0x1082;
	[sflag:s4] =	ssyncset.s32 $0xFFFFF086  }
0x25: {  	[simem:s6], [sflag:s4] =	dma.local [hbm:s3], $0xF7A  }
0x26: {  	[smem:$0x3F9F] =	sst s1;
	(tag) =	ssettag s2;
	_ =	strace s9  }
0x27: {  	s1 =	sld [smem:$0x3FAF]  }
0x28: {  	s2 =	sld [smem:$0x3FB0]  }
0x29: {  	s4 =	sld [smem:$0x3FB2]  }
0x2a: {  	p0 =	seq.s32 s5, $0x0;
	s5 =	sld [smem:$0x3FB3]  }
0x2b: {  	s6 =	sld [smem:$0x3FB4]  }
0x2c: {  	s7 =	sld [smem:$0x3FB5]  }
0x2d: {  	s3 =	simm.s32 $0x108;
	s8 =	sld [smem:$0x3FB6]  }
0x2e: {  	s3 =	simm.s32 @!p0 $0x1082;
	s9 =	sld [smem:$0x3FB7]  }
0x2f: {  	lr =	sadd.s32 s0, s3;
	s0 =	sld [smem:$0x3FAE]  }
0x30: {  	s3 =	sld [smem:$0x3FB1]  }
0x31: {  	[smem:$0x3FBA] =	sst s10  }
0x32: {  	s10 =	sld [smem:$0x3FB8];
	_ =	sdelay $0x3  }
0x33: {  	p0 =	seq.s32 s10, $0x1;
	s10 =	sld [smem:$0x3FBA];
	_ =	sdelay $0x3  }
0x34: {  	[smem:$0x3FBA] =	sst s10  }
0x35: {  	s10 =	sld [smem:$0x3FB9];
	_ =	sdelay $0x3  }
0x36: {  	p1 =	seq.s32 s10, $0x1;
	s10 =	sld [smem:$0x3FBA];
	_ =	sdelay $0x3  }
0x37: {  	[smem:$0x3FBA] =	sst s10  }
0x38: {  	s10 =	sld [smem:$0x3FBB]  }
0x39: {  	_ = 	snop;
	(pc) =	sbr.ind lr, $3  }
0x3a: {  	_ = 	snop  }
0x3b: {  	_ = 	snop  }
0x3c: {  	p2 =	seq.s32 s10, $0x1;
	s10 =	sld [smem:$0x3FBA]  }
0x3d: {  	_ =	shalt  }
0x3e: {  	_ =	shalt  }
0x3f: {  	_ =	shalt  }
0x40: {  	_ =	shalt  }
0x41: {  	_ =	shalt  }
0x42: {  	_ =	shalt  }
0x43: {  	_ =	shalt  }
0x44: {  	_ =	shalt  }
0x45: {  	_ =	shalt  }
0x46: {  	_ =	shalt  }
0x47: {  	_ =	shalt  }
0x48: {  	_ =	shalt  }
0x49: {  	_ =	shalt  }
0x4a: {  	_ =	shalt  }
0x4b: {  	_ =	shalt  }
0x4c: {  	_ =	shalt  }
0x4d: {  	_ =	shalt  }
0x4e: {  	_ =	shalt  }
0x4f: {  	_ =	shalt  }
0x50: {  	_ =	shalt  }
0x51: {  	_ =	shalt  }
0x52: {  	_ =	shalt  }
0x53: {  	_ =	shalt  }
0x54: {  	_ =	shalt  }
0x55: {  	_ =	shalt  }
0x56: {  	_ =	shalt  }
0x57: {  	_ =	shalt  }
0x58: {  	_ =	shalt  }
0x59: {  	_ =	shalt  }
0x5a: {  	_ =	shalt  }
0x5b: {  	_ =	shalt  }
0x5c: {  	_ =	shalt  }
0x5d: {  	_ =	shalt  }
0x5e: {  	_ =	shalt  }
0x5f: {  	_ =	shalt  }
0x60: {  	_ =	shalt  }
0x61: {  	_ =	shalt  }
0x62: {  	_ =	shalt  }
0x63: {  	_ =	shalt  }
0x64: {  	_ =	shalt  }
0x65: {  	_ =	shalt  }
0x66: {  	_ =	shalt  }
0x67: {  	_ =	shalt  }
0x68: {  	_ =	shalt  }
0x69: {  	_ =	shalt  }
0x6a: {  	_ =	shalt  }
0x6b: {  	_ =	shalt  }
0x6c: {  	_ =	shalt  }
0x6d: {  	_ =	shalt  }
0x6e: {  	_ =	shalt  }
0x6f: {  	_ =	shalt  }
0x70: {  	_ =	shalt  }
0x71: {  	_ =	shalt  }
0x72: {  	_ =	shalt  }
0x73: {  	_ =	shalt  }
0x74: {  	_ =	shalt  }
0x75: {  	_ =	shalt  }
0x76: {  	_ =	shalt  }
0x77: {  	_ =	shalt  }
0x78: {  	_ =	shalt  }
0x79: {  	_ =	shalt  }
0x7a: {  	_ =	shalt  }
0x7b: {  	_ =	shalt  }
0x7c: {  	_ =	shalt  }
0x7d: {  	_ =	shalt  }
0x7e: {  	_ =	shalt  }
0x7f: {  	_ =	shalt  }
0x80: {  	_ =	shalt  }
0x81: {  	_ =	shalt  }
0x82: {  	_ =	shalt  }
0x83: {  	_ =	shalt  }
0x84: {  	_ =	shalt  }
0x85: {  	_ =	shalt  }
0x86: {  	_ =	shalt  }
0x87: {  	_ =	shalt  }
.Lfunc_end0:
.L_simem_size_0:
called_computation_lowered:
.L_overlay_start_0:
0x88: {  	s2 =	sld [smem:$0x3FD9]  }
0x89: {  	s3 =	sld [smem:$0x3FFE];
	_ =	sdelay $0x1  }
0x8a: {  	s1 =	srdreg.scid  }
0x8b: {  	s0 =	sand.u32 $0x1, s1  }
0x8c: {  	s14 =	sshll.u32 s0, $0xA;
	s2 =	sadd.s32 s3, s2  }
0x8d: {  	s2 =	sadd.s32 s2, s14  }
0x8e: {  	[smem:$0x3FC6] =	sst s2  }
0x8f: {  	_ = 	snop  }
0x90: {  	s2 =	sld [smem:$0x3FD0];
	_ =	sdelay $0x2  }
0x91: {  	s15 =	simm.s32 $0xA;
	s4 =	simm.s32 $0x10  }
0x92: {  	[smem:s4], [sflag:s15] =	dma.local [hbm:s2], $0x1  }
0x93: {  	_ =	swait.eq [sflag:s15], $0x1  }
0x94: {  	[sflag:s15] =	ssyncset.done $0x0  }
0x95: {  	[sflag:s15] =	ssyncadd.s32 $0xFFFFFFFF  }
0x96: {  	s16 =	sld [smem:$0x11];
	(tm) =	ssettm $0x1  }
0x97: {  	s17 =	sld [smem:$0x3FFB];
	_ =	sdelay $0x3  }
0x98: {  	_ =	strace s17  }
0x99: {  	s3 =	sld [smem:$0x3FFC];
	_ =	sdelay $0x3  }
0x9a: {  	_ =	strace s3  }
0x9b: {  	s3 =	sld [smem:$0x3FFD];
	_ =	sdelay $0x3  }
0x9c: {  	_ =	strace s3  }
0x9d: {  	_ =	strace $0x8FFFFFFF  }
0x9e: {  	s18 =	sld [smem:$0x3FDB];
	_ =	sdelay $0x1  }
0x9f: {  	s19 =	simm.s32 $_scs_section_size  }
0xa0: {  	s5 =	simm.s32 $_size__tile_overlayer_lowered;
	s6 =	simm.s32 $_tile_overlayer_lowered  }
0xa1: {  	s22 =	simm.s32 $0x1BFF;
	s21 =	sshll.u32 s6, $0x1;
	s3 =	sadd.s32 s19, s18  }
0xa2: {  	s7 =	simm.s32 $0x0;
	s20 =	sshll.u32 s5, $0x1;
	s5 =	sadd.s32 s21, s3  }
0xa3: {  	[timem:s7], [sflag:s22] =	dma.local [hbm:s5], s20  }
0xa4: {  	_ =	swait.ge [sflag:s22], s20  }
0xa5: {  	s4 =	ssub.s32 $0x0, s20;
	[sflag:s22] =	ssyncset.done $0x0  }
0xa6: {  	[sflag:s22] =	ssyncadd.s32 s4;
	_ =	sdelay $0x1  }
0xa7: {  	s23 =	simm.s32 $0x1B8B  }
0xa8: {  	_ =	swait.ge [sflag:s23], $0x1  }
0xa9: {  	[sflag:s23] =	ssyncset.done $0x0  }
0xaa: {  	s25 =	simm.s32 $0x1B8E;
	s24 =	sld [smem:$0x3FFE];
	[sflag:s23] =	ssyncadd.s32 $0xFFFFFFFF  }
0xab: {  	s26 =	simm.s32 $execute0_lowered;
	[smem:$0x3FD2] =	sst s25  }
0xac: {  	s5 =	sshll.u32 s26, $0x1;
	_ =	strace $0x80000046;
	[dreg:$0x1] =	wrdreg $0xFFFFFFFF  }
0xad: {  	s28 =	simm.s32 $_size_execute0_lowered;
	s3 =	sadd.s32 s3, s5;
	[dreg:$0x0] =	wrdreg $0x0  }
0xae: {  	s5 =	sshll.u32 s28, $0x1;
	[dreg:$0x2] =	wrdreg s3  }
0xaf: {  	[dreg:$0x3] =	wrdreg s5  }
0xb0: {  	[dreg:$0x4] =	wrdreg $0xC0  }
0xb1: {  	_ =	task [dreg:s7], $0x5FFFF  }
0xb2: {  	[dreg:$0x1] =	wrdreg $0xFFFFFFFF  }
0xb3: {  	[dreg:$0x0] =	wrdreg $0x60  }
0xb4: {  	[dreg:$0x2] =	wrdreg s16  }
0xb5: {  	[dreg:$0x3] =	wrdreg s24  }
0xb6: {  	[dreg:$0x4] =	wrdreg $0x9  }
0xb7: {  	_ =	task.clear_ibuf [dreg:s7], $0x5FFFF;
	_ =	strace $0x90000046  }
0xb8: {  	s29 =	simm.s32 $0x9;
	_ =	strace $0x80000048  }
0xb9: {  	_ =	swait.ge [sflag:s29], $0x1  }
0xba: {  	[sflag:s29] =	ssyncadd.s32 $0xFFFFFFFF  }
0xbb: {  	_ =	strace $0x90000048  }
0xbc: {  	_ =	sfence  }
0xbd: {  	s30 =	sld [smem:$0x0];
	_ =	sdelay $0x2  }
0xbe: {  	s31 =	sshll.u32 s1, $0xD;
	s1 =	sshrl.u32 s1, $0x2  }
0xbf: {  	s3 =	sand.u32 $0x4000, s31;
	s1 =	sadd.s32 s1, s30  }
0xc0: {  	s0 =	sor.u32 s3, s0;
	s1 =	sshll.u32 s1, $0x11  }
0xc1: {  	s0 =	sor.u32 s1, s0  }
0xc2: {  	s0 =	sadd.s32 $0x8F2B, s0  }
0xc3: {  	[sflag:s0] =	ssyncadd.remote.s32 $0x1  }
0xc4: {  	_ =	sfence.sel $0xFFFF  }
0xc5: {  	[dreg:$0x0] =	wrdreg $0xFFFFFFFF;
	(pc) =	sbr.abs _section_cstart, $3  }
0xc6: {  	[dreg:$0x1] =	wrdreg $0xFFFFFFFF  }
0xc7: {  	_ =	task.clear_ibuf [dreg:s7], $0x2FFFF;
	_ =	strace $0x9FFFFFFF  }
0xc8: {  	(tm) =	ssettm $0x7FFFFFFF  }
0xc9: {  	_ =	shalt  }
tec
execute0_lowered:
.L_overlay_start_1:
0x0: {  	(tag) =	ssettag $0x1  }
0x1: {  	s2 =	rddreg [dreg:$0x0];
	s0 =	srdreg.scid  }
0x2: {  	s6 =	stileid.u32;
	s1 =	rddreg [dreg:$0x1];
	s3 =	simm.s32 $0x0  }
0x3: {  	s28 =	simm.s32 $0x2;
	s29 =	simm.s32 $0x3;
	s30 =	simm.s32 $0x4  }
0x4: {  	s0 =	sand.u32 $0x1, s0;
	s4 =	sshll.u32 s6, $0x1;
	s6 =	smul.u32 $0x24C000, s6  }
0x5: {  	s4 =	sor.u32 s0, s4;
	s5 =	ssub.s32 $0x2, s0;
	s0 =	smul.u32 $0x126000, s0  }
0x6: {  	s31 =	simm.s32 $0x5;
	[smem:$0x7FF] =	sst s3;
	s4 =	smul.u32 $0x126000, s4  }
0x7: {  	_ =	strace $0x80000047;
	s7 =	sshrl.u32 s5, $0x1;
	s0 =	sadd.s32 s0, s6  }
0x8: {  	s5 =	ssub.s32 s5, s7;
	s4 =	sshrl.u32 s4, $0x3;
	s14 =	sadd.s32 $0x27600, s0  }
0x9: {  	s18 =	sadd.s32 $0x24C00, s0;
	s20 =	sadd.s32 $0x22200, s0;
	s8 =	sadd.s32 $0x1F800, s0  }
0xa: {  	s24 =	sadd.s32 $0x1CE00, s0;
	s25 =	sadd.s32 $0x1A400, s0;
	s26 =	sadd.s32 $0x17A00, s0  }
0xb: {  	s1 =	sadd.s32 s4, s1;
	s4 =	sadd.s32 s2, s4;
	s6 =	sshrl.u32 s14, $0x3  }
0xc: {  	s19 =	sshrl.u32 s18, $0x3;
	s7 =	sshrl.u32 s20, $0x3;
	s22 =	sshrl.u32 s8, $0x3  }
0xd: {  	s14 =	smax.u32 s5, $0x1;
	s5 =	sshrl.u32 s25, $0x3;
	s10 =	sadd.s32 $0x540, s4  }
0xe: {  	s18 =	sadd.s32 $0x15000, s0;
	s11 =	sadd.s32 $0xA80, s4;
	[dreg:$0x7] =	wrdreg s10  }
0xf: {  	s20 =	simm.s32 $0x5400;
	s12 =	sadd.s32 $0xFC0, s4;
	[dreg:$0x8] =	wrdreg s11  }
0x10: {  	s25 =	simm.s32 $0x12600;
	s13 =	sadd.s32 $0x1500, s4;
	[dreg:$0x9] =	wrdreg s12  }
0x11: {  	s0 =	simm.s32 $0x7;
	s15 =	sadd.s32 $0x1A40, s4;
	[dreg:$0xa] =	wrdreg s13  }
0x12: {  	s16 =	sadd.s32 $0x1F80, s4;
	s17 =	sadd.s32 $0x24C0, s4;
	[dreg:$0xb] =	wrdreg s15  }
0x13: {  	s6 =	sadd.s32 s6, s2;
	s21 =	sadd.s32 s7, s2;
	[dreg:$0xc] =	wrdreg s16  }
0x14: {  	s23 =	sadd.s32 s22, s2;
	s22 =	simm.s32 $0xA800;
	[dreg:$0xd] =	wrdreg s17  }
0x15: {  	s7 =	simm.s32 $0x0;
	[dreg:$0x3] =	wrdreg s6;
	s6 =	sadd.s32 s19, s2  }
0x16: {  	s12 =	sadd.s32 $0x800, s1;
	[dreg:$0x5] =	wrdreg s21;
	s13 =	sadd.s32 $0x498800, s1  }
0x17: {  	[dreg:$0x6] =	wrdreg s23;
	s1 =	sshrl.u32 s24, $0x3;
	s16 =	sadd.s32 s5, s2  }
0x18: {  	s19 =	simm.s32 $0x2A00;
	s21 =	simm.s32 $0x7E00;
	s23 =	simm.s32 $0xD200  }
0x19: {  	s24 =	simm.s32 $0xFC00;
	s5 =	simm.s32 $0x8;
	[dreg:$0x4] =	wrdreg s6  }
0x1a: {  	s6 =	sshrl.u32 s26, $0x3;
	s15 =	sadd.s32 s1, s2;
	s26 =	simm.s32 $0x1  }
0x1b: {  	s1 =	simm.s32 $0x6;
	s17 =	sadd.s32 s6, s2;
	s6 =	simm.s32 $0x9  }
.LBB2_1:
0x1c: {  	[tilespmem:s3], [sflag:$0x1] =	stream.linear.gather [hbm4b:s4+s3], $0x2A00, $0x38;
	[tilespmem:$0x15000] =	vst v63  }
0x1d: {  	s8 =	rddreg [dreg:$0x7]  }
0x1e: {  	[tilespmem:s19], [sflag:$0x2] =	stream.linear.gather [hbm4b:s8+s3], $0x2A00, $0x38;
	[tilespmem:$0x15000] =	vst v63  }
0x1f: {  	s11 =	rddreg [dreg:$0x8]  }
0x20: {  	[tilespmem:s20], [sflag:$0x3] =	stream.linear.gather [hbm4b:s11+s3], $0x2A00, $0x38;
	[tilespmem:$0x15000] =	vst v63  }
0x21: {  	s9 =	rddreg [dreg:$0x9]  }
0x22: {  	[tilespmem:s21], [sflag:$0x4] =	stream.linear.gather [hbm4b:s9+s3], $0x2A00, $0x38;
	[tilespmem:$0x15000] =	vst v63  }
0x23: {  	s10 =	rddreg [dreg:$0xa]  }
0x24: {  	[tilespmem:s22], [sflag:$0x5] =	stream.linear.gather [hbm4b:s10+s3], $0x2A00, $0x38;
	[tilespmem:$0x15000] =	vst v63  }
0x25: {  	s11 =	rddreg [dreg:$0xb]  }
0x26: {  	[tilespmem:s23], [sflag:$0x6] =	stream.linear.gather [hbm4b:s11+s3], $0x2A00, $0x38;
	[tilespmem:$0x15000] =	vst v63  }
0x27: {  	s9 =	rddreg [dreg:$0xc]  }
0x28: {  	[tilespmem:s24], [sflag:$0x7] =	stream.linear.gather [hbm4b:s9+s3], $0x2A00, $0x38;
	[tilespmem:$0x15000] =	vst v63  }
0x29: {  	s10 =	rddreg [dreg:$0xd]  }
0x2a: {  	[tilespmem:s25], [sflag:$0x8] =	stream.linear.gather [hbm4b:s10+s3], $0x2A00, $0x38;
	[tilespmem:$0x15000] =	vst v63  }
0x2b: {  	_ =	swait.ge [sflag:s26], $0x2A00  }
0x2c: {  	s11 =	sshrl.u32 s18, $0x3;
	[sflag:s26] =	ssyncset.done $0x0  }
0x2d: {  	s8 =	sadd.s32 s2, s11;
	[sflag:s26] =	ssyncadd.s32 $0xFFFFD600  }
0x2e: {  	[tilespmem:s3], [sflag:$0x1] =	stream.linear.gather [hbm4b:s8+s3], $0x2A00, $0x38;
	[tilespmem:$0x15000] =	vst v63  }
0x2f: {  	_ =	swait.ge [sflag:s28], $0x2A00  }
0x30: {  	[sflag:s28] =	ssyncset.done $0x0  }
0x31: {  	s9 =	sadd.s32 $0x0, s17;
	[sflag:s28] =	ssyncadd.s32 $0xFFFFD600  }
0x32: {  	[tilespmem:s19], [sflag:$0x2] =	stream.linear.gather [hbm4b:s9+s3], $0x2A00, $0x38;
	[tilespmem:$0x15000] =	vst v63  }
0x33: {  	_ =	swait.ge [sflag:s29], $0x2A00  }
0x34: {  	[sflag:s29] =	ssyncset.done $0x0  }
0x35: {  	s10 =	sadd.s32 $0x0, s16;
	[sflag:s29] =	ssyncadd.s32 $0xFFFFD600  }
0x36: {  	[tilespmem:s20], [sflag:$0x3] =	stream.linear.gather [hbm4b:s10+s3], $0x2A00, $0x38;
	[tilespmem:$0x15000] =	vst v63  }
0x37: {  	_ =	swait.ge [sflag:s30], $0x2A00  }
0x38: {  	[sflag:s30] =	ssyncset.done $0x0  }
0x39: {  	s11 =	sadd.s32 $0x0, s15;
	[sflag:s30] =	ssyncadd.s32 $0xFFFFD600  }
0x3a: {  	[tilespmem:s21], [sflag:$0x4] =	stream.linear.gather [hbm4b:s11+s3], $0x2A00, $0x38;
	[tilespmem:$0x15000] =	vst v63  }
0x3b: {  	_ =	swait.ge [sflag:s31], $0x2A00  }
0x3c: {  	s9 =	rddreg [dreg:$0x6];
	[sflag:s31] =	ssyncset.done $0x0  }
0x3d: {  	[sflag:s31] =	ssyncadd.s32 $0xFFFFD600;
	s8 =	sadd.s32 $0x0, s9  }
0x3e: {  	[tilespmem:s22], [sflag:$0x5] =	stream.linear.gather [hbm4b:s8+s3], $0x2A00, $0x38;
	[tilespmem:$0x15000] =	vst v63  }
0x3f: {  	_ =	swait.ge [sflag:s1], $0x2A00  }
0x40: {  	s10 =	rddreg [dreg:$0x5];
	[sflag:s1] =	ssyncset.done $0x0  }
0x41: {  	[sflag:s1] =	ssyncadd.s32 $0xFFFFD600;
	s8 =	sadd.s32 $0x0, s10  }
0x42: {  	[tilespmem:s23], [sflag:$0x6] =	stream.linear.gather [hbm4b:s8+s3], $0x2A00, $0x38;
	[tilespmem:$0x15000] =	vst v63  }
0x43: {  	_ =	swait.ge [sflag:s0], $0x2A00  }
0x44: {  	s11 =	rddreg [dreg:$0x4];
	[sflag:s0] =	ssyncset.done $0x0  }
0x45: {  	[sflag:s0] =	ssyncadd.s32 $0xFFFFD600;
	s8 =	sadd.s32 $0x0, s11  }
0x46: {  	[tilespmem:s24], [sflag:$0x7] =	stream.linear.gather [hbm4b:s8+s3], $0x2A00, $0x38;
	[tilespmem:$0x15000] =	vst v63  }
0x47: {  	_ =	swait.ge [sflag:s5], $0x2A00  }
0x48: {  	s8 =	simm.s32 $0x2A00;
	s9 =	rddreg [dreg:$0x3];
	[sflag:s5] =	ssyncset.done $0x0  }
0x49: {  	[sflag:s5] =	ssyncadd.s32 $0xFFFFD600;
	s10 =	sadd.s32 $0x0, s9;
	s9 =	sadd.s32 $0x15000, s18  }
.LBB2_2:
0x4a: {  	[tilespmem:s25], [sflag:$0x8] =	stream.linear.gather [hbm4b:s10+s3], $0x2A00, $0x38;
	[tilespmem:$0x15000] =	vst v63  }
0x4b: {  	_ =	swait.ge [sflag:s26], $0x2A00  }
0x4c: {  	s11 =	sshrl.u32 s9, $0x3;
	[sflag:s26] =	ssyncset.done $0x0  }
0x4d: {  	s11 =	sadd.s32 s2, s11;
	[sflag:s26] =	ssyncadd.s32 $0xFFFFD600  }
0x4e: {  	[tilespmem:s3], [sflag:$0x1] =	stream.linear.gather [hbm4b:s11+s3], $0x2A00, $0x38;
	[tilespmem:$0x15000] =	vst v63  }
0x4f: {  	_ =	swait.ge [sflag:s28], $0x2A00  }
0x50: {  	s10 =	smov.u32 s8;
	[sflag:s28] =	ssyncset.done $0x0  }
0x51: {  	s11 =	sadd.s32 s10, s17;
	[sflag:s28] =	ssyncadd.s32 $0xFFFFD600  }
0x52: {  	[tilespmem:s19], [sflag:$0x2] =	stream.linear.gather [hbm4b:s11+s3], $0x2A00, $0x38;
	[tilespmem:$0x15000] =	vst v63  }
0x53: {  	_ =	swait.ge [sflag:s29], $0x2A00  }
0x54: {  	[sflag:s29] =	ssyncset.done $0x0  }
0x55: {  	s11 =	sadd.s32 s10, s16;
	[sflag:s29] =	ssyncadd.s32 $0xFFFFD600  }
0x56: {  	[tilespmem:s20], [sflag:$0x3] =	stream.linear.gather [hbm4b:s11+s3], $0x2A00, $0x38;
	[tilespmem:$0x15000] =	vst v63  }
0x57: {  	_ =	swait.ge [sflag:s30], $0x2A00  }
0x58: {  	[sflag:s30] =	ssyncset.done $0x0  }
0x59: {  	s11 =	sadd.s32 s10, s15;
	[sflag:s30] =	ssyncadd.s32 $0xFFFFD600  }
0x5a: {  	[tilespmem:s21], [sflag:$0x4] =	stream.linear.gather [hbm4b:s11+s3], $0x2A00, $0x38;
	[tilespmem:$0x15000] =	vst v63  }
0x5b: {  	_ =	swait.ge [sflag:s31], $0x2A00  }
0x5c: {  	s11 =	rddreg [dreg:$0x6];
	[sflag:s31] =	ssyncset.done $0x0  }
0x5d: {  	[sflag:s31] =	ssyncadd.s32 $0xFFFFD600;
	s11 =	sadd.s32 s10, s11  }
0x5e: {  	[tilespmem:s22], [sflag:$0x5] =	stream.linear.gather [hbm4b:s11+s3], $0x2A00, $0x38;
	[tilespmem:$0x15000] =	vst v63  }
0x5f: {  	_ =	swait.ge [sflag:s1], $0x2A00  }
0x60: {  	s11 =	rddreg [dreg:$0x5];
	[sflag:s1] =	ssyncset.done $0x0  }
0x61: {  	[sflag:s1] =	ssyncadd.s32 $0xFFFFD600;
	s11 =	sadd.s32 s10, s11  }
0x62: {  	[tilespmem:s23], [sflag:$0x6] =	stream.linear.gather [hbm4b:s11+s3], $0x2A00, $0x38;
	[tilespmem:$0x15000] =	vst v63  }
0x63: {  	_ =	swait.ge [sflag:s0], $0x2A00  }
0x64: {  	p0 =	sne.s32 s8, $0x1F800;
	s11 =	rddreg [dreg:$0x4];
	[sflag:s0] =	ssyncset.done $0x0  }
.Ltmp0:
0x65: {  	[sflag:s0] =	ssyncadd.s32 $0xFFFFD600;
	s11 =	sadd.s32 s10, s11;
	(pc) =	sbr.rel @p0 .LBB2_2-.Ltmp0, $4  }
0x66: {  	[tilespmem:s24], [sflag:$0x7] =	stream.linear.gather [hbm4b:s11+s3], $0x2A00, $0x38;
	[tilespmem:$0x15000] =	vst v63  }
0x67: {  	_ =	swait.ge [sflag:s5], $0x2A00  }
0x68: {  	s8 =	sadd.s32 $0x2A00, s8;
	[sflag:s5] =	ssyncset.done $0x0;
	s11 =	rddreg [dreg:$0x3]  }
0x69: {  	s9 =	sadd.s32 $0x15000, s9;
	[sflag:s5] =	ssyncadd.s32 $0xFFFFD600;
	s10 =	sadd.s32 s10, s11  }
0x6a: {  	[tilespmem:s25], [sflag:$0x8] =	stream.linear.gather [hbm4b:s10+s3], $0x2A00, $0x38;
	[tilespmem:$0x15000] =	vst v63  }
0x6b: {  	_ =	swait.ge [sflag:s26], $0x2A00  }
0x6c: {  	[sflag:s26] =	ssyncset.done $0x0  }
0x6d: {  	[sflag:s26] =	ssyncadd.s32 $0xFFFFD600  }
0x6e: {  	_ =	swait.ge [sflag:s28], $0x2A00  }
0x6f: {  	[sflag:s28] =	ssyncset.done $0x0  }
0x70: {  	[sflag:s28] =	ssyncadd.s32 $0xFFFFD600  }
0x71: {  	_ =	swait.ge [sflag:s29], $0x2A00  }
0x72: {  	[sflag:s29] =	ssyncset.done $0x0  }
0x73: {  	[sflag:s29] =	ssyncadd.s32 $0xFFFFD600  }
0x74: {  	_ =	swait.ge [sflag:s30], $0x2A00  }
0x75: {  	[sflag:s30] =	ssyncset.done $0x0  }
0x76: {  	[sflag:s30] =	ssyncadd.s32 $0xFFFFD600  }
0x77: {  	_ =	swait.ge [sflag:s31], $0x2A00  }
0x78: {  	[sflag:s31] =	ssyncset.done $0x0  }
0x79: {  	[sflag:s31] =	ssyncadd.s32 $0xFFFFD600  }
0x7a: {  	_ =	swait.ge [sflag:s1], $0x2A00  }
0x7b: {  	[sflag:s1] =	ssyncset.done $0x0  }
0x7c: {  	[sflag:s1] =	ssyncadd.s32 $0xFFFFD600  }
0x7d: {  	_ =	swait.ge [sflag:s0], $0x2A00  }
0x7e: {  	[sflag:s0] =	ssyncset.done $0x0  }
0x7f: {  	[sflag:s0] =	ssyncadd.s32 $0xFFFFD600  }
0x80: {  	_ =	swait.ge [sflag:s5], $0x2A00  }
0x81: {  	[sflag:s5] =	ssyncset.done $0x0  }
0x82: {  	[sflag:s5] =	ssyncadd.s32 $0xFFFFD600  }
0x83: {  	[hbm4b:s12+s3] =	stream.linear.scatter [tilespmem:s3], [sflag:$0x9], $0x2A00, $0x38;
	[tilespmem:$0x15000] =	vst v63  }
0x84: {  	s7 =	sadd.s32 $0x1, s7;
	_ =	swait.ge [sflag:s6], $0x2A00  }
0x85: {  	p0 =	sne.s32 s7, s14;
	[sflag:s6] =	ssyncset.done $0x0  }
.Ltmp1:
0x86: {  	[sflag:s6] =	ssyncadd.s32 $0xFFFFD600;
	(pc) =	sbr.rel @p0 .LBB2_1-.Ltmp1, $4  }
0x87: {  	[hbm4b:s13+s3] =	stream.linear.scatter [tilespmem:s3], [sflag:$0x9], $0x2A00, $0x38;
	[tilespmem:$0x15000] =	vst v63  }
0x88: {  	_ =	swait.ge [sflag:s6], $0x2A00  }
0x89: {  	[sflag:s6] =	ssyncset.done $0x0  }
0x8a: {  	[sflag:s6] =	ssyncadd.s32 $0xFFFFD600  }
0x8b: {  	_ =	sfence.sel $0x180000  }
0x8c: {  	[bflag:$0x0] =	sbarrier.arrive $0xFFFF  }
0x8d: {  	_ =	strace $0x90000047  }
0x8e: {  	s0 =	stileid.u32;
	[bflag:$0x2] =	sbarrier.arrive $0xFFFF  }
0x8f: {  	p0 =	sne.s32 s0, $0x0;
	s0 =	rddreg [dreg:$0x2]  }
0x90: {  	s0 =	sadd.s32 @!p0 $0x100000, s0  }
0x91: {  	[sflag:s0] =	ssyncadd.tile.s32 @!p0 $0x1;
	_ =	shalt  }
.Lfunc_end2:
_tile_overlayer_lowered:
.L_overlay_start_2:
0x92: {  	(tag) =	ssettag $0x2  }
0x93: {  	s0 =	rddreg [dreg:$0x0];
	s2 =	stileid.u32  }
0x94: {  	s1 =	rddreg [dreg:$0x1];
	p0 =	sne.s32 s2, $0x0  }
0x95: {  	s3 =	rddreg [dreg:$0x2];
	[bflag:$0x3] =	sbarrier.arrive $0xFFFF;
	s2 =	simm.s32 @!p0 $0x1C09  }
0x96: {  	[timem:s3], [sflag:s2] =	dma.local @!p0 [hbm:s0], s1  }
0x97: {  	s0 =	simm.s32 @!p0 $0x9  }
0x98: {  	_ =	swait.ge @!p0 [sflag:s0], s1  }
0x99: {  	s1 =	ssub.s32 @!p0 $0x0, s1;
	[sflag:s0] =	ssyncset.done @!p0 $0x0  }
0x9a: {  	[sflag:s0] =	ssyncadd.s32 @!p0 s1  }
0x9b: {  	[bflag:$0x3] =	sbarrier.arrive $0xFFFF  }
0x9c: {  	_ =	shalt  }

</sc_bundles>
